<compile_context>
chip_gen: v7x
topology: tpu7x:2x2x1
jax: 0.10.2.dev20260603
libtpu: 0.0.44.dev20260713+nightly
codegen_flags: <defaults>
</compile_context>

<pallas_src>
import jax
import jax.numpy as jnp
from jax import lax
from jax.experimental import pallas as pl
from jax.experimental.pallas import tpu as pltpu

B, T, J, DIM, HEADS = 64, 64, 25, 128, 4
CH = DIM // HEADS
E = 64
GB = 8
R = GB * J
G = B * T
N = G * J


def _gat_body(x_ref, ei_ref, w_ref, atts_ref, attd_ref, bias_ref, o_ref):
    f32 = jnp.float32
    i32 = jnp.int32

    es = ei_ref[0, 0:1, :]
    ed = ei_ref[0, 1:2, :]
    Hd = (lax.broadcasted_iota(i32, (J, E), 0) == ed).astype(f32)
    Hs = (lax.broadcasted_iota(i32, (J, E), 0) == es).astype(f32)
    C = lax.dot_general(Hd, Hs, (((1,), (1,)), ((), ())),
                        preferred_element_type=f32)
    eye = (lax.broadcasted_iota(i32, (J, J), 0)
           == lax.broadcasted_iota(i32, (J, J), 1)).astype(f32)
    C = C + eye
    logC = jnp.where(C > 0.0, jnp.log(C), -1e30)

    U = ((lax.broadcasted_iota(i32, (R, J), 0) % J)
         == lax.broadcasted_iota(i32, (R, J), 1)).astype(f32)
    Lg = jnp.dot(U, logC, preferred_element_type=f32)
    Lfull = lax.dot_general(Lg, U, (((1,), (1,)), ((), ())),
                            preferred_element_type=f32)
    rg = lax.broadcasted_iota(i32, (R, R), 0) // J
    cg = lax.broadcasted_iota(i32, (R, R), 1) // J
    Lfull = jnp.where(rg == cg, Lfull, -1e30)

    x2 = x_ref[:].reshape(R, DIM)
    xh = jnp.dot(x2, w_ref[:], preferred_element_type=f32)

    k2 = lax.broadcasted_iota(i32, (DIM, 2 * HEADS), 0) // CH
    c2 = lax.broadcasted_iota(i32, (DIM, 2 * HEADS), 1)
    M = (jnp.where(k2 == c2, atts_ref[:], 0.0)
         + jnp.where(k2 == c2 - HEADS, attd_ref[:], 0.0))
    Acol = jnp.dot(xh, M, preferred_element_type=f32)
    Arow = lax.dot_general(M, xh, (((0,), (1,)), ((), ())),
                           preferred_element_type=f32)

    ones_col = jnp.ones((R, 1), f32)
    outs = []
    for h in range(HEADS):
        S = Acol[:, HEADS + h:HEADS + h + 1] + Arow[h:h + 1, :]
        S = jnp.maximum(S, 0.2 * S) + Lfull
        ex = jnp.exp(S)
        xe = jnp.concatenate([xh[:, h * CH:(h + 1) * CH], ones_col], axis=1)
        u = jnp.dot(ex, xe, preferred_element_type=f32)
        recip = 1.0 / (u[:, CH:CH + 1] + 1e-16)
        outs.append(u[:, :CH] * recip)
    res = jnp.concatenate(outs, axis=1) + bias_ref[:]
    o_ref[:, :, :] = res.reshape(GB, J, DIM)


def kernel(x, edge_index, W, att_src, att_dst, bias):
    x3 = x.reshape(G, J, DIM)
    ei3 = edge_index.reshape(1, 2, E)
    atts = att_src.reshape(DIM, 1)
    attd = att_dst.reshape(DIM, 1)
    bias2 = bias.reshape(1, DIM)

    out = pl.pallas_call(
        _gat_body,
        grid=(G // GB,),
        in_specs=[
            pl.BlockSpec((GB, J, DIM), lambda i: (i, 0, 0)),
            pl.BlockSpec((1, 2, E), lambda i: (0, 0, 0)),
            pl.BlockSpec((DIM, DIM), lambda i: (0, 0)),
            pl.BlockSpec((DIM, 1), lambda i: (0, 0)),
            pl.BlockSpec((DIM, 1), lambda i: (0, 0)),
            pl.BlockSpec((1, DIM), lambda i: (0, 0)),
        ],
        out_specs=pl.BlockSpec((GB, J, DIM), lambda i: (i, 0, 0)),
        out_shape=jax.ShapeDtypeStruct((G, J, DIM), jnp.float32),
        compiler_params=pltpu.CompilerParams(
            dimension_semantics=("parallel",)),
    )(x3, ei3, W, atts, attd, bias2)
    return out.reshape(B, T, J, DIM)

# --- scband reference (transcript-rebuilt; emitter-appended) ---
"""Pipeline reference for scband-py-ggraph-layer-16054587752806 (READ-ONLY COPY).

The authoritative reference and input builder live on the scoring server;
editing this copy changes nothing except your own understanding.
"""

import jax, jax.numpy as jnp
import numpy as np

B, T, J, DIM, HEADS = 64, 64, 25, 128, 4
CH = DIM // HEADS  # out_channels per head = 32
E_PER_GRAPH = 64


def setup_inputs(seed: int = 0) -> dict:
    key = jax.random.key(seed)
    k1, k2, k3, k4, k5 = jax.random.split(key, 5)
    x = jax.random.normal(k1, (B, T, J, DIM), dtype=jnp.float32)
    edge_index = jax.random.randint(k2, (2, E_PER_GRAPH), 0, J, dtype=jnp.int32)
    # GATConv parameters: lin weight [in, heads*out], attention vectors, bias
    W = jax.random.normal(k3, (DIM, HEADS * CH), dtype=jnp.float32) * (1.0 / np.sqrt(DIM))
    att_src = jax.random.normal(k4, (1, HEADS, CH), dtype=jnp.float32) * 0.1
    att_dst = jax.random.normal(k5, (1, HEADS, CH), dtype=jnp.float32) * 0.1
    bias = jnp.zeros((HEADS * CH,), dtype=jnp.float32)
    return {"x": x, "edge_index": edge_index, "W": W, "att_src": att_src, "att_dst": att_dst, "bias": bias}


def reference(x, edge_index, W, att_src, att_dst, bias):
    b, t, j, d = x.shape
    n = b * t * j
    x_flat = x.reshape(n, d)
    e = edge_index.shape[1]
    # replicate skeleton edges across all b*t graphs with node offsets
    offsets = jnp.repeat(jnp.arange(b * t, dtype=edge_index.dtype), e) * j
    rep = jnp.tile(edge_index, (1, b * t)) + offsets[None, :]
    # GATConv adds self-loops by default
    loop = jnp.arange(n, dtype=rep.dtype)
    src = jnp.concatenate([rep[0], loop])
    dst = jnp.concatenate([rep[1], loop])
    # linear transform -> [N, H, C]
    xh = (x_flat @ W).reshape(n, HEADS, CH)
    a_src = (xh * att_src).sum(-1)  # [N, H]
    a_dst = (xh * att_dst).sum(-1)  # [N, H]
    alpha = jax.nn.leaky_relu(a_src[src] + a_dst[dst], 0.2)  # [E, H]
    # softmax over edges grouped by destination node
    amax = jax.ops.segment_max(alpha, dst, num_segments=n)
    amax = jnp.where(jnp.isfinite(amax), amax, 0.0)
    ex = jnp.exp(alpha - amax[dst])
    denom = jax.ops.segment_sum(ex, dst, num_segments=n)
    coef = ex / (denom[dst] + 1e-16)
    # weighted message aggregation at dst
    out = jax.ops.segment_sum(xh[src] * coef[:, :, None], dst, num_segments=n)
    out = out.reshape(n, HEADS * CH) + bias
    return out.reshape(b, t, j, d)

if __name__ == "__main__":
    import jax
    _d = setup_inputs()
    print(jax.jit(kernel)(*tuple(_d.values())))

</pallas_src>

<mosaic_0001>
module attributes {stable_mosaic.version = 14 : i64} {
  func.func @_gat_body(%arg0: i32, %arg1: memref<8x25x128xf32, #tpu.memory_space<vmem>>, %arg2: memref<1x2x64xi32, #tpu.memory_space<vmem>>, %arg3: memref<128x128xf32, #tpu.memory_space<vmem>>, %arg4: memref<128x1xf32, #tpu.memory_space<vmem>>, %arg5: memref<128x1xf32, #tpu.memory_space<vmem>>, %arg6: memref<1x128xf32, #tpu.memory_space<vmem>>, %arg7: memref<8x25x128xf32, #tpu.memory_space<vmem>>) attributes {dimension_semantics = [#tpu.dimension_semantics<parallel>], iteration_bounds = array<i64: 512>, scalar_prefetch = 0 : i64, scratch_operands = 0 : i64, tpu.core_type = #tpu.core_type<tc>, window_params = [{transform_indices = @transform_0, window_bounds = array<i64: 8, 25, 128>}, {pipeline_mode = #tpu.pipeline_mode<synchronous>, transform_indices = @transform_1, window_bounds = array<i64: 1, 2, 64>}, {pipeline_mode = #tpu.pipeline_mode<synchronous>, transform_indices = @transform_2, window_bounds = array<i64: 128, 128>}, {pipeline_mode = #tpu.pipeline_mode<synchronous>, transform_indices = @transform_3, window_bounds = array<i64: 128, 1>}, {pipeline_mode = #tpu.pipeline_mode<synchronous>, transform_indices = @transform_4, window_bounds = array<i64: 128, 1>}, {pipeline_mode = #tpu.pipeline_mode<synchronous>, transform_indices = @transform_5, window_bounds = array<i64: 1, 128>}, {transform_indices = @transform_6, window_bounds = array<i64: 8, 25, 128>}]} {
    %get3A = arith.constant 0 : index
    %get3A_0 = arith.constant 0 : index
    %get3A_1 = arith.constant 0 : index
    %get3A_2 = vector.load %arg2[%get3A, %get3A_0, %get3A_1] : memref<1x2x64xi32, #tpu.memory_space<vmem>>, vector<1x1x64xi32>
    %get3A_3 = vector.shape_cast %get3A_2 : vector<1x1x64xi32> to vector<1x64xi32>
    %get3A_4 = arith.constant 0 : index
    %get3A_5 = arith.constant 1 : index
    %get3A_6 = arith.constant 0 : index
    %get3A_7 = vector.load %arg2[%get3A_4, %get3A_5, %get3A_6] : memref<1x2x64xi32, #tpu.memory_space<vmem>>, vector<1x1x64xi32>
    %get3A_8 = vector.shape_cast %get3A_7 : vector<1x1x64xi32> to vector<1x64xi32>
    %iota3A = tpu.iota {dimensions = array<i32: 0>} : vector<25x64xi32>
    %eq3A = vector.broadcast %get3A_8 : vector<1x64xi32> to vector<25x64xi32>
    %eq3A_9 = arith.cmpi eq, %iota3A, %eq3A : vector<25x64xi32>
    %convert_element_type3A = arith.extui %eq3A_9 : vector<25x64xi1> to vector<25x64xi32>
    %convert_element_type3A_10 = arith.sitofp %convert_element_type3A : vector<25x64xi32> to vector<25x64xf32>
    %iota3A_11 = tpu.iota {dimensions = array<i32: 0>} : vector<25x64xi32>
    %eq3A_12 = vector.broadcast %get3A_3 : vector<1x64xi32> to vector<25x64xi32>
    %eq3A_13 = arith.cmpi eq, %iota3A_11, %eq3A_12 : vector<25x64xi32>
    %convert_element_type3A_14 = arith.extui %eq3A_13 : vector<25x64xi1> to vector<25x64xi32>
    %convert_element_type3A_15 = arith.sitofp %convert_element_type3A_14 : vector<25x64xi32> to vector<25x64xf32>
    %dot_general3A = arith.constant dense<0.000000e+00> : vector<25x25xf32>
    %dot_general3A_16 = tpu.matmul %convert_element_type3A_10, %convert_element_type3A_15, %dot_general3A {dimension_numbers = #tpu.dot_dimension_numbers<[1], [1], [0], [0], [0, 0, 1, 0], [], []>, transpose_lhs_hint = false} : vector<25x64xf32>, vector<25x64xf32>, vector<25x25xf32> -> vector<25x25xf32>
    %iota3A_17 = tpu.iota {dimensions = array<i32: 0>} : vector<25x25xi32>
    %iota3A_18 = tpu.iota {dimensions = array<i32: 1>} : vector<25x25xi32>
    %eq3A_19 = arith.cmpi eq, %iota3A_17, %iota3A_18 : vector<25x25xi32>
    %convert_element_type3A_20 = arith.extui %eq3A_19 : vector<25x25xi1> to vector<25x25xi32>
    %convert_element_type3A_21 = arith.sitofp %convert_element_type3A_20 : vector<25x25xi32> to vector<25x25xf32>
    %add3A = arith.addf %dot_general3A_16, %convert_element_type3A_21 : vector<25x25xf32>
    %gt3A = arith.constant 0.000000e+00 : f32
    %gt3A_22 = vector.broadcast %gt3A : f32 to vector<25x25xf32>
    %gt3A_23 = arith.cmpf ogt, %add3A, %gt3A_22 : vector<25x25xf32>
    %log3A = math.log %add3A : vector<25x25xf32>
    %jit3A = arith.constant -1.000000e+30 : f32
    %broadcast_in_dim3A = vector.broadcast %jit3A : f32 to vector<25x25xf32>
    %select_n3A = arith.select %gt3A_23, %log3A, %broadcast_in_dim3A : vector<25x25xi1>, vector<25x25xf32>
    %iota3A_24 = tpu.iota {dimensions = array<i32: 0>} : vector<200x25xi32>
    %jit3A_25 = arith.constant 25 : i32
    %eq3A_26 = arith.constant 0 : i32
    %eq3A_27 = arith.cmpi eq, %jit3A_25, %eq3A_26 : i32
    %jit3A_28 = arith.constant 1 : i32
    %select_n3A_29 = arith.select %eq3A_27, %jit3A_28, %jit3A_25 : i32
    %rem3A = vector.broadcast %select_n3A_29 : i32 to vector<200x25xi32>
    %rem3A_30 = arith.remsi %iota3A_24, %rem3A : vector<200x25xi32>
    %ne3A = arith.constant 0 : i32
    %ne3A_31 = vector.broadcast %ne3A : i32 to vector<200x25xi32>
    %ne3A_32 = arith.cmpi ne, %rem3A_30, %ne3A_31 : vector<200x25xi32>
    %lt3A = arith.constant 0 : i32
    %lt3A_33 = vector.broadcast %lt3A : i32 to vector<200x25xi32>
    %lt3A_34 = arith.cmpi slt, %rem3A_30, %lt3A_33 : vector<200x25xi32>
    %lt3A_35 = arith.constant 0 : i32
    %lt3A_36 = arith.cmpi slt, %select_n3A_29, %lt3A_35 : i32
    %ne3A_37 = vector.broadcast %lt3A_36 : i1 to vector<200x25xi1>
    %ne3A_38 = vector.broadcast %ne3A_37 : vector<200x25xi1> to vector<200x25xi1>
    %ne3A_39 = arith.xori %lt3A_34, %ne3A_38 : vector<200x25xi1>
    %and3A = arith.andi %ne3A_39, %ne3A_32 : vector<200x25xi1>
    %add3A_40 = vector.broadcast %select_n3A_29 : i32 to vector<200x25xi32>
    %add3A_41 = arith.addi %rem3A_30, %add3A_40 : vector<200x25xi32>
    %select_n3A_42 = arith.select %and3A, %add3A_41, %rem3A_30 : vector<200x25xi1>, vector<200x25xi32>
    %iota3A_43 = tpu.iota {dimensions = array<i32: 1>} : vector<200x25xi32>
    %eq3A_44 = arith.cmpi eq, %select_n3A_42, %iota3A_43 : vector<200x25xi32>
    %convert_element_type3A_45 = arith.extui %eq3A_44 : vector<200x25xi1> to vector<200x25xi32>
    %convert_element_type3A_46 = arith.sitofp %convert_element_type3A_45 : vector<200x25xi32> to vector<200x25xf32>
    %dot_general3A_47 = arith.constant dense<0.000000e+00> : vector<200x25xf32>
    %dot_general3A_48 = tpu.matmul %convert_element_type3A_46, %select_n3A, %dot_general3A_47 {dimension_numbers = #tpu.dot_dimension_numbers<[1], [0], [0], [1], [0, 0, 1, 1], [], []>, transpose_lhs_hint = false} : vector<200x25xf32>, vector<25x25xf32>, vector<200x25xf32> -> vector<200x25xf32>
    %dot_general3A_49 = arith.constant dense<0.000000e+00> : vector<200x200xf32>
    %dot_general3A_50 = tpu.matmul %dot_general3A_48, %convert_element_type3A_46, %dot_general3A_49 {dimension_numbers = #tpu.dot_dimension_numbers<[1], [1], [0], [0], [0, 0, 1, 0], [], []>, transpose_lhs_hint = false} : vector<200x25xf32>, vector<200x25xf32>, vector<200x200xf32> -> vector<200x200xf32>
    %iota3A_51 = tpu.iota {dimensions = array<i32: 0>} : vector<200x200xi32>
    %jit3A_52 = arith.constant 25 : i32
    %div3A = vector.broadcast %jit3A_52 : i32 to vector<200x200xi32>
    %div3A_53 = arith.divsi %iota3A_51, %div3A : vector<200x200xi32>
    %sign3A = arith.constant 0 : i32
    %sign3A_54 = vector.broadcast %sign3A : i32 to vector<200x200xi32>
    %sign3A_55 = arith.cmpi sgt, %iota3A_51, %sign3A_54 : vector<200x200xi32>
    %sign3A_56 = arith.extui %sign3A_55 : vector<200x200xi1> to vector<200x200xi32>
    %sign3A_57 = arith.constant 0 : i32
    %sign3A_58 = vector.broadcast %sign3A_57 : i32 to vector<200x200xi32>
    %sign3A_59 = arith.cmpi slt, %iota3A_51, %sign3A_58 : vector<200x200xi32>
    %sign3A_60 = arith.extui %sign3A_59 : vector<200x200xi1> to vector<200x200xi32>
    %sign3A_61 = arith.subi %sign3A_56, %sign3A_60 : vector<200x200xi32>
    %sign3A_62 = arith.constant 0 : i32
    %sign3A_63 = arith.cmpi sgt, %jit3A_52, %sign3A_62 : i32
    %sign3A_64 = arith.extui %sign3A_63 : i1 to i32
    %sign3A_65 = arith.constant 0 : i32
    %sign3A_66 = arith.cmpi slt, %jit3A_52, %sign3A_65 : i32
    %sign3A_67 = arith.extui %sign3A_66 : i1 to i32
    %sign3A_68 = arith.subi %sign3A_64, %sign3A_67 : i32
    %ne3A_69 = vector.broadcast %sign3A_68 : i32 to vector<200x200xi32>
    %ne3A_70 = arith.cmpi ne, %sign3A_61, %ne3A_69 : vector<200x200xi32>
    %rem3A_71 = vector.broadcast %jit3A_52 : i32 to vector<200x200xi32>
    %rem3A_72 = arith.remsi %iota3A_51, %rem3A_71 : vector<200x200xi32>
    %ne3A_73 = arith.constant 0 : i32
    %ne3A_74 = vector.broadcast %ne3A_73 : i32 to vector<200x200xi32>
    %ne3A_75 = arith.cmpi ne, %rem3A_72, %ne3A_74 : vector<200x200xi32>
    %and3A_76 = arith.andi %ne3A_70, %ne3A_75 : vector<200x200xi1>
    %sub3A = arith.constant 1 : i32
    %sub3A_77 = vector.broadcast %sub3A : i32 to vector<200x200xi32>
    %sub3A_78 = arith.subi %div3A_53, %sub3A_77 : vector<200x200xi32>
    %select_n3A_79 = arith.select %and3A_76, %sub3A_78, %div3A_53 : vector<200x200xi1>, vector<200x200xi32>
    %iota3A_80 = tpu.iota {dimensions = array<i32: 1>} : vector<200x200xi32>
    %jit3A_81 = arith.constant 25 : i32
    %div3A_82 = vector.broadcast %jit3A_81 : i32 to vector<200x200xi32>
    %div3A_83 = arith.divsi %iota3A_80, %div3A_82 : vector<200x200xi32>
    %sign3A_84 = arith.constant 0 : i32
    %sign3A_85 = vector.broadcast %sign3A_84 : i32 to vector<200x200xi32>
    %sign3A_86 = arith.cmpi sgt, %iota3A_80, %sign3A_85 : vector<200x200xi32>
    %sign3A_87 = arith.extui %sign3A_86 : vector<200x200xi1> to vector<200x200xi32>
    %sign3A_88 = arith.constant 0 : i32
    %sign3A_89 = vector.broadcast %sign3A_88 : i32 to vector<200x200xi32>
    %sign3A_90 = arith.cmpi slt, %iota3A_80, %sign3A_89 : vector<200x200xi32>
    %sign3A_91 = arith.extui %sign3A_90 : vector<200x200xi1> to vector<200x200xi32>
    %sign3A_92 = arith.subi %sign3A_87, %sign3A_91 : vector<200x200xi32>
    %sign3A_93 = arith.constant 0 : i32
    %sign3A_94 = arith.cmpi sgt, %jit3A_81, %sign3A_93 : i32
    %sign3A_95 = arith.extui %sign3A_94 : i1 to i32
    %sign3A_96 = arith.constant 0 : i32
    %sign3A_97 = arith.cmpi slt, %jit3A_81, %sign3A_96 : i32
    %sign3A_98 = arith.extui %sign3A_97 : i1 to i32
    %sign3A_99 = arith.subi %sign3A_95, %sign3A_98 : i32
    %ne3A_100 = vector.broadcast %sign3A_99 : i32 to vector<200x200xi32>
    %ne3A_101 = arith.cmpi ne, %sign3A_92, %ne3A_100 : vector<200x200xi32>
    %rem3A_102 = vector.broadcast %jit3A_81 : i32 to vector<200x200xi32>
    %rem3A_103 = arith.remsi %iota3A_80, %rem3A_102 : vector<200x200xi32>
    %ne3A_104 = arith.constant 0 : i32
    %ne3A_105 = vector.broadcast %ne3A_104 : i32 to vector<200x200xi32>
    %ne3A_106 = arith.cmpi ne, %rem3A_103, %ne3A_105 : vector<200x200xi32>
    %and3A_107 = arith.andi %ne3A_101, %ne3A_106 : vector<200x200xi1>
    %sub3A_108 = arith.constant 1 : i32
    %sub3A_109 = vector.broadcast %sub3A_108 : i32 to vector<200x200xi32>
    %sub3A_110 = arith.subi %div3A_83, %sub3A_109 : vector<200x200xi32>
    %select_n3A_111 = arith.select %and3A_107, %sub3A_110, %div3A_83 : vector<200x200xi1>, vector<200x200xi32>
    %eq3A_112 = arith.cmpi eq, %select_n3A_79, %select_n3A_111 : vector<200x200xi32>
    %jit3A_113 = arith.constant -1.000000e+30 : f32
    %broadcast_in_dim3A_114 = vector.broadcast %jit3A_113 : f32 to vector<200x200xf32>
    %select_n3A_115 = arith.select %eq3A_112, %dot_general3A_50, %broadcast_in_dim3A_114 : vector<200x200xi1>, vector<200x200xf32>
    %get3A_116 = arith.constant 0 : index
    %get3A_117 = arith.constant 0 : index
    %get3A_118 = arith.constant 0 : index
    %get3A_119 = vector.load %arg1[%get3A_116, %get3A_117, %get3A_118] : memref<8x25x128xf32, #tpu.memory_space<vmem>>, vector<8x25x128xf32>
    %reshape3A = vector.shape_cast %get3A_119 : vector<8x25x128xf32> to vector<200x128xf32>
    %get3A_120 = arith.constant 0 : index
    %get3A_121 = arith.constant 0 : index
    %get3A_122 = vector.load %arg3[%get3A_120, %get3A_121] : memref<128x128xf32, #tpu.memory_space<vmem>>, vector<128x128xf32>
    %dot_general3A_123 = arith.constant dense<0.000000e+00> : vector<200x128xf32>
    %dot_general3A_124 = tpu.matmul %reshape3A, %get3A_122, %dot_general3A_123 {dimension_numbers = #tpu.dot_dimension_numbers<[1], [0], [0], [1], [0, 0, 1, 1], [], []>, transpose_lhs_hint = false} : vector<200x128xf32>, vector<128x128xf32>, vector<200x128xf32> -> vector<200x128xf32>
    %iota3A_125 = tpu.iota {dimensions = array<i32: 0>} : vector<128x8xi32>
    %jit3A_126 = arith.constant 32 : i32
    %div3A_127 = vector.broadcast %jit3A_126 : i32 to vector<128x8xi32>
    %div3A_128 = arith.divsi %iota3A_125, %div3A_127 : vector<128x8xi32>
    %sign3A_129 = arith.constant 0 : i32
    %sign3A_130 = vector.broadcast %sign3A_129 : i32 to vector<128x8xi32>
    %sign3A_131 = arith.cmpi sgt, %iota3A_125, %sign3A_130 : vector<128x8xi32>
    %sign3A_132 = arith.extui %sign3A_131 : vector<128x8xi1> to vector<128x8xi32>
    %sign3A_133 = arith.constant 0 : i32
    %sign3A_134 = vector.broadcast %sign3A_133 : i32 to vector<128x8xi32>
    %sign3A_135 = arith.cmpi slt, %iota3A_125, %sign3A_134 : vector<128x8xi32>
    %sign3A_136 = arith.extui %sign3A_135 : vector<128x8xi1> to vector<128x8xi32>
    %sign3A_137 = arith.subi %sign3A_132, %sign3A_136 : vector<128x8xi32>
    %sign3A_138 = arith.constant 0 : i32
    %sign3A_139 = arith.cmpi sgt, %jit3A_126, %sign3A_138 : i32
    %sign3A_140 = arith.extui %sign3A_139 : i1 to i32
    %sign3A_141 = arith.constant 0 : i32
    %sign3A_142 = arith.cmpi slt, %jit3A_126, %sign3A_141 : i32
    %sign3A_143 = arith.extui %sign3A_142 : i1 to i32
    %sign3A_144 = arith.subi %sign3A_140, %sign3A_143 : i32
    %ne3A_145 = vector.broadcast %sign3A_144 : i32 to vector<128x8xi32>
    %ne3A_146 = arith.cmpi ne, %sign3A_137, %ne3A_145 : vector<128x8xi32>
    %rem3A_147 = vector.broadcast %jit3A_126 : i32 to vector<128x8xi32>
    %rem3A_148 = arith.remsi %iota3A_125, %rem3A_147 : vector<128x8xi32>
    %ne3A_149 = arith.constant 0 : i32
    %ne3A_150 = vector.broadcast %ne3A_149 : i32 to vector<128x8xi32>
    %ne3A_151 = arith.cmpi ne, %rem3A_148, %ne3A_150 : vector<128x8xi32>
    %and3A_152 = arith.andi %ne3A_146, %ne3A_151 : vector<128x8xi1>
    %sub3A_153 = arith.constant 1 : i32
    %sub3A_154 = vector.broadcast %sub3A_153 : i32 to vector<128x8xi32>
    %sub3A_155 = arith.subi %div3A_128, %sub3A_154 : vector<128x8xi32>
    %select_n3A_156 = arith.select %and3A_152, %sub3A_155, %div3A_128 : vector<128x8xi1>, vector<128x8xi32>
    %iota3A_157 = tpu.iota {dimensions = array<i32: 1>} : vector<128x8xi32>
    %eq3A_158 = arith.cmpi eq, %select_n3A_156, %iota3A_157 : vector<128x8xi32>
    %get3A_159 = arith.constant 0 : index
    %get3A_160 = arith.constant 0 : index
    %get3A_161 = vector.load %arg4[%get3A_159, %get3A_160] : memref<128x1xf32, #tpu.memory_space<vmem>>, vector<128x1xf32>
    %jit3A_162 = arith.constant 0.000000e+00 : f32
    %broadcast_in_dim3A_163 = vector.shape_cast %get3A_161 : vector<128x1xf32> to vector<128x1xf32>
    %broadcast_in_dim3A_164 = vector.broadcast %broadcast_in_dim3A_163 : vector<128x1xf32> to vector<128x8xf32>
    %broadcast_in_dim3A_165 = vector.broadcast %jit3A_162 : f32 to vector<128x8xf32>
    %select_n3A_166 = arith.select %eq3A_158, %broadcast_in_dim3A_164, %broadcast_in_dim3A_165 : vector<128x8xi1>, vector<128x8xf32>
    %sub3A_167 = arith.constant 4 : i32
    %sub3A_168 = vector.broadcast %sub3A_167 : i32 to vector<128x8xi32>
    %sub3A_169 = arith.subi %iota3A_157, %sub3A_168 : vector<128x8xi32>
    %eq3A_170 = arith.cmpi eq, %select_n3A_156, %sub3A_169 : vector<128x8xi32>
    %get3A_171 = arith.constant 0 : index
    %get3A_172 = arith.constant 0 : index
    %get3A_173 = vector.load %arg5[%get3A_171, %get3A_172] : memref<128x1xf32, #tpu.memory_space<vmem>>, vector<128x1xf32>
    %jit3A_174 = arith.constant 0.000000e+00 : f32
    %broadcast_in_dim3A_175 = vector.shape_cast %get3A_173 : vector<128x1xf32> to vector<128x1xf32>
    %broadcast_in_dim3A_176 = vector.broadcast %broadcast_in_dim3A_175 : vector<128x1xf32> to vector<128x8xf32>
    %broadcast_in_dim3A_177 = vector.broadcast %jit3A_174 : f32 to vector<128x8xf32>
    %select_n3A_178 = arith.select %eq3A_170, %broadcast_in_dim3A_176, %broadcast_in_dim3A_177 : vector<128x8xi1>, vector<128x8xf32>
    %add3A_179 = arith.addf %select_n3A_166, %select_n3A_178 : vector<128x8xf32>
    %dot_general3A_180 = arith.constant dense<0.000000e+00> : vector<200x8xf32>
    %dot_general3A_181 = tpu.matmul %dot_general3A_124, %add3A_179, %dot_general3A_180 {dimension_numbers = #tpu.dot_dimension_numbers<[1], [0], [0], [1], [0, 0, 1, 1], [], []>, transpose_lhs_hint = false} : vector<200x128xf32>, vector<128x8xf32>, vector<200x8xf32> -> vector<200x8xf32>
    %dot_general3A_182 = arith.constant dense<0.000000e+00> : vector<8x200xf32>
    %dot_general3A_183 = tpu.matmul %add3A_179, %dot_general3A_124, %dot_general3A_182 {dimension_numbers = #tpu.dot_dimension_numbers<[0], [1], [1], [0], [0, 1, 1, 0], [], []>, transpose_lhs_hint = false} : vector<128x8xf32>, vector<200x128xf32>, vector<8x200xf32> -> vector<8x200xf32>
    %broadcast_in_dim3A_184 = arith.constant 1.000000e+00 : f32
    %broadcast_in_dim3A_185 = vector.broadcast %broadcast_in_dim3A_184 : f32 to vector<200x1xf32>
    %slice3A = vector.extract_strided_slice %dot_general3A_181 {offsets = [0, 4], sizes = [200, 1], strides = [1, 1]} : vector<200x8xf32> to vector<200x1xf32>
    %slice3A_186 = vector.extract_strided_slice %dot_general3A_183 {offsets = [0, 0], sizes = [1, 200], strides = [1, 1]} : vector<8x200xf32> to vector<1x200xf32>
    %add3A_187 = vector.broadcast %slice3A : vector<200x1xf32> to vector<200x200xf32>
    %add3A_188 = vector.broadcast %slice3A_186 : vector<1x200xf32> to vector<200x200xf32>
    %add3A_189 = arith.addf %add3A_187, %add3A_188 : vector<200x200xf32>
    %mul3A = arith.constant 2.000000e-01 : f32
    %mul3A_190 = vector.broadcast %mul3A : f32 to vector<200x200xf32>
    %mul3A_191 = arith.mulf %mul3A_190, %add3A_189 : vector<200x200xf32>
    %max3A = arith.maximumf %add3A_189, %mul3A_191 : vector<200x200xf32>
    %add3A_192 = arith.addf %max3A, %select_n3A_115 : vector<200x200xf32>
    %exp3A = math.exp %add3A_192 : vector<200x200xf32>
    %slice3A_193 = vector.extract_strided_slice %dot_general3A_124 {offsets = [0, 0], sizes = [200, 32], strides = [1, 1]} : vector<200x128xf32> to vector<200x32xf32>
    %concatenate3A = tpu.concatenate %slice3A_193, %broadcast_in_dim3A_185 in 1 : vector<200x32xf32>, vector<200x1xf32> -> vector<200x33xf32>
    %dot_general3A_194 = arith.constant dense<0.000000e+00> : vector<200x33xf32>
    %dot_general3A_195 = tpu.matmul %exp3A, %concatenate3A, %dot_general3A_194 {dimension_numbers = #tpu.dot_dimension_numbers<[1], [0], [0], [1], [0, 0, 1, 1], [], []>, transpose_lhs_hint = false} : vector<200x200xf32>, vector<200x33xf32>, vector<200x33xf32> -> vector<200x33xf32>
    %slice3A_196 = vector.extract_strided_slice %dot_general3A_195 {offsets = [0, 32], sizes = [200, 1], strides = [1, 1]} : vector<200x33xf32> to vector<200x1xf32>
    %add3A_197 = arith.constant 1.000000e-16 : f32
    %add3A_198 = vector.broadcast %add3A_197 : f32 to vector<200x1xf32>
    %add3A_199 = arith.addf %slice3A_196, %add3A_198 : vector<200x1xf32>
    %div3A_200 = arith.constant 1.000000e+00 : f32
    %div3A_201 = vector.broadcast %div3A_200 : f32 to vector<200x1xf32>
    %div3A_202 = arith.divf %div3A_201, %add3A_199 : vector<200x1xf32>
    %slice3A_203 = vector.extract_strided_slice %dot_general3A_195 {offsets = [0, 0], sizes = [200, 32], strides = [1, 1]} : vector<200x33xf32> to vector<200x32xf32>
    %mul3A_204 = vector.broadcast %div3A_202 : vector<200x1xf32> to vector<200x32xf32>
    %mul3A_205 = arith.mulf %slice3A_203, %mul3A_204 : vector<200x32xf32>
    %slice3A_206 = vector.extract_strided_slice %dot_general3A_181 {offsets = [0, 5], sizes = [200, 1], strides = [1, 1]} : vector<200x8xf32> to vector<200x1xf32>
    %slice3A_207 = vector.extract_strided_slice %dot_general3A_183 {offsets = [1, 0], sizes = [1, 200], strides = [1, 1]} : vector<8x200xf32> to vector<1x200xf32>
    %add3A_208 = vector.broadcast %slice3A_206 : vector<200x1xf32> to vector<200x200xf32>
    %add3A_209 = vector.broadcast %slice3A_207 : vector<1x200xf32> to vector<200x200xf32>
    %add3A_210 = arith.addf %add3A_208, %add3A_209 : vector<200x200xf32>
    %mul3A_211 = arith.constant 2.000000e-01 : f32
    %mul3A_212 = vector.broadcast %mul3A_211 : f32 to vector<200x200xf32>
    %mul3A_213 = arith.mulf %mul3A_212, %add3A_210 : vector<200x200xf32>
    %max3A_214 = arith.maximumf %add3A_210, %mul3A_213 : vector<200x200xf32>
    %add3A_215 = arith.addf %max3A_214, %select_n3A_115 : vector<200x200xf32>
    %exp3A_216 = math.exp %add3A_215 : vector<200x200xf32>
    %slice3A_217 = vector.extract_strided_slice %dot_general3A_124 {offsets = [0, 32], sizes = [200, 32], strides = [1, 1]} : vector<200x128xf32> to vector<200x32xf32>
    %concatenate3A_218 = tpu.concatenate %slice3A_217, %broadcast_in_dim3A_185 in 1 : vector<200x32xf32>, vector<200x1xf32> -> vector<200x33xf32>
    %dot_general3A_219 = arith.constant dense<0.000000e+00> : vector<200x33xf32>
    %dot_general3A_220 = tpu.matmul %exp3A_216, %concatenate3A_218, %dot_general3A_219 {dimension_numbers = #tpu.dot_dimension_numbers<[1], [0], [0], [1], [0, 0, 1, 1], [], []>, transpose_lhs_hint = false} : vector<200x200xf32>, vector<200x33xf32>, vector<200x33xf32> -> vector<200x33xf32>
    %slice3A_221 = vector.extract_strided_slice %dot_general3A_220 {offsets = [0, 32], sizes = [200, 1], strides = [1, 1]} : vector<200x33xf32> to vector<200x1xf32>
    %add3A_222 = arith.constant 1.000000e-16 : f32
    %add3A_223 = vector.broadcast %add3A_222 : f32 to vector<200x1xf32>
    %add3A_224 = arith.addf %slice3A_221, %add3A_223 : vector<200x1xf32>
    %div3A_225 = arith.constant 1.000000e+00 : f32
    %div3A_226 = vector.broadcast %div3A_225 : f32 to vector<200x1xf32>
    %div3A_227 = arith.divf %div3A_226, %add3A_224 : vector<200x1xf32>
    %slice3A_228 = vector.extract_strided_slice %dot_general3A_220 {offsets = [0, 0], sizes = [200, 32], strides = [1, 1]} : vector<200x33xf32> to vector<200x32xf32>
    %mul3A_229 = vector.broadcast %div3A_227 : vector<200x1xf32> to vector<200x32xf32>
    %mul3A_230 = arith.mulf %slice3A_228, %mul3A_229 : vector<200x32xf32>
    %slice3A_231 = vector.extract_strided_slice %dot_general3A_181 {offsets = [0, 6], sizes = [200, 1], strides = [1, 1]} : vector<200x8xf32> to vector<200x1xf32>
    %slice3A_232 = vector.extract_strided_slice %dot_general3A_183 {offsets = [2, 0], sizes = [1, 200], strides = [1, 1]} : vector<8x200xf32> to vector<1x200xf32>
    %add3A_233 = vector.broadcast %slice3A_231 : vector<200x1xf32> to vector<200x200xf32>
    %add3A_234 = vector.broadcast %slice3A_232 : vector<1x200xf32> to vector<200x200xf32>
    %add3A_235 = arith.addf %add3A_233, %add3A_234 : vector<200x200xf32>
    %mul3A_236 = arith.constant 2.000000e-01 : f32
    %mul3A_237 = vector.broadcast %mul3A_236 : f32 to vector<200x200xf32>
    %mul3A_238 = arith.mulf %mul3A_237, %add3A_235 : vector<200x200xf32>
    %max3A_239 = arith.maximumf %add3A_235, %mul3A_238 : vector<200x200xf32>
    %add3A_240 = arith.addf %max3A_239, %select_n3A_115 : vector<200x200xf32>
    %exp3A_241 = math.exp %add3A_240 : vector<200x200xf32>
    %slice3A_242 = vector.extract_strided_slice %dot_general3A_124 {offsets = [0, 64], sizes = [200, 32], strides = [1, 1]} : vector<200x128xf32> to vector<200x32xf32>
    %concatenate3A_243 = tpu.concatenate %slice3A_242, %broadcast_in_dim3A_185 in 1 : vector<200x32xf32>, vector<200x1xf32> -> vector<200x33xf32>
    %dot_general3A_244 = arith.constant dense<0.000000e+00> : vector<200x33xf32>
    %dot_general3A_245 = tpu.matmul %exp3A_241, %concatenate3A_243, %dot_general3A_244 {dimension_numbers = #tpu.dot_dimension_numbers<[1], [0], [0], [1], [0, 0, 1, 1], [], []>, transpose_lhs_hint = false} : vector<200x200xf32>, vector<200x33xf32>, vector<200x33xf32> -> vector<200x33xf32>
    %slice3A_246 = vector.extract_strided_slice %dot_general3A_245 {offsets = [0, 32], sizes = [200, 1], strides = [1, 1]} : vector<200x33xf32> to vector<200x1xf32>
    %add3A_247 = arith.constant 1.000000e-16 : f32
    %add3A_248 = vector.broadcast %add3A_247 : f32 to vector<200x1xf32>
    %add3A_249 = arith.addf %slice3A_246, %add3A_248 : vector<200x1xf32>
    %div3A_250 = arith.constant 1.000000e+00 : f32
    %div3A_251 = vector.broadcast %div3A_250 : f32 to vector<200x1xf32>
    %div3A_252 = arith.divf %div3A_251, %add3A_249 : vector<200x1xf32>
    %slice3A_253 = vector.extract_strided_slice %dot_general3A_245 {offsets = [0, 0], sizes = [200, 32], strides = [1, 1]} : vector<200x33xf32> to vector<200x32xf32>
    %mul3A_254 = vector.broadcast %div3A_252 : vector<200x1xf32> to vector<200x32xf32>
    %mul3A_255 = arith.mulf %slice3A_253, %mul3A_254 : vector<200x32xf32>
    %slice3A_256 = vector.extract_strided_slice %dot_general3A_181 {offsets = [0, 7], sizes = [200, 1], strides = [1, 1]} : vector<200x8xf32> to vector<200x1xf32>
    %slice3A_257 = vector.extract_strided_slice %dot_general3A_183 {offsets = [3, 0], sizes = [1, 200], strides = [1, 1]} : vector<8x200xf32> to vector<1x200xf32>
    %add3A_258 = vector.broadcast %slice3A_256 : vector<200x1xf32> to vector<200x200xf32>
    %add3A_259 = vector.broadcast %slice3A_257 : vector<1x200xf32> to vector<200x200xf32>
    %add3A_260 = arith.addf %add3A_258, %add3A_259 : vector<200x200xf32>
    %mul3A_261 = arith.constant 2.000000e-01 : f32
    %mul3A_262 = vector.broadcast %mul3A_261 : f32 to vector<200x200xf32>
    %mul3A_263 = arith.mulf %mul3A_262, %add3A_260 : vector<200x200xf32>
    %max3A_264 = arith.maximumf %add3A_260, %mul3A_263 : vector<200x200xf32>
    %add3A_265 = arith.addf %max3A_264, %select_n3A_115 : vector<200x200xf32>
    %exp3A_266 = math.exp %add3A_265 : vector<200x200xf32>
    %slice3A_267 = vector.extract_strided_slice %dot_general3A_124 {offsets = [0, 96], sizes = [200, 32], strides = [1, 1]} : vector<200x128xf32> to vector<200x32xf32>
    %concatenate3A_268 = tpu.concatenate %slice3A_267, %broadcast_in_dim3A_185 in 1 : vector<200x32xf32>, vector<200x1xf32> -> vector<200x33xf32>
    %dot_general3A_269 = arith.constant dense<0.000000e+00> : vector<200x33xf32>
    %dot_general3A_270 = tpu.matmul %exp3A_266, %concatenate3A_268, %dot_general3A_269 {dimension_numbers = #tpu.dot_dimension_numbers<[1], [0], [0], [1], [0, 0, 1, 1], [], []>, transpose_lhs_hint = false} : vector<200x200xf32>, vector<200x33xf32>, vector<200x33xf32> -> vector<200x33xf32>
    %slice3A_271 = vector.extract_strided_slice %dot_general3A_270 {offsets = [0, 32], sizes = [200, 1], strides = [1, 1]} : vector<200x33xf32> to vector<200x1xf32>
    %add3A_272 = arith.constant 1.000000e-16 : f32
    %add3A_273 = vector.broadcast %add3A_272 : f32 to vector<200x1xf32>
    %add3A_274 = arith.addf %slice3A_271, %add3A_273 : vector<200x1xf32>
    %div3A_275 = arith.constant 1.000000e+00 : f32
    %div3A_276 = vector.broadcast %div3A_275 : f32 to vector<200x1xf32>
    %div3A_277 = arith.divf %div3A_276, %add3A_274 : vector<200x1xf32>
    %slice3A_278 = vector.extract_strided_slice %dot_general3A_270 {offsets = [0, 0], sizes = [200, 32], strides = [1, 1]} : vector<200x33xf32> to vector<200x32xf32>
    %mul3A_279 = vector.broadcast %div3A_277 : vector<200x1xf32> to vector<200x32xf32>
    %mul3A_280 = arith.mulf %slice3A_278, %mul3A_279 : vector<200x32xf32>
    %concatenate3A_281 = tpu.concatenate %mul3A_205, %mul3A_230, %mul3A_255, %mul3A_280 in 1 : vector<200x32xf32>, vector<200x32xf32>, vector<200x32xf32>, vector<200x32xf32> -> vector<200x128xf32>
    %get3A_282 = arith.constant 0 : index
    %get3A_283 = arith.constant 0 : index
    %get3A_284 = vector.load %arg6[%get3A_282, %get3A_283] : memref<1x128xf32, #tpu.memory_space<vmem>>, vector<1x128xf32>
    %add3A_285 = vector.broadcast %get3A_284 : vector<1x128xf32> to vector<200x128xf32>
    %add3A_286 = arith.addf %concatenate3A_281, %add3A_285 : vector<200x128xf32>
    %reshape3A_287 = vector.shape_cast %add3A_286 : vector<200x128xf32> to vector<8x25x128xf32>
    %swap3A = arith.constant 0 : index
    %swap3A_288 = arith.constant 0 : index
    %swap3A_289 = arith.constant 0 : index
    %swap3A_290 = vector.load %arg7[%swap3A, %swap3A_288, %swap3A_289] : memref<8x25x128xf32, #tpu.memory_space<vmem>>, vector<8x25x128xf32>
    tpu.vector_store %arg7[%swap3A, %swap3A_288, %swap3A_289], %reshape3A_287 {strides = array<i32>} : memref<8x25x128xf32, #tpu.memory_space<vmem>>, vector<8x25x128xf32>,
    return
  }
  func.func @transform_0(%arg0: i32) -> (i32, i32, i32) {
    %c0_i32 = arith.constant 0 : i32
    %c0_i32_0 = arith.constant 0 : i32
    %c0_i32_1 = arith.constant 0 : i32
    return %arg0, %c0_i32, %c0_i32_0 : i32, i32, i32
  }
  func.func @transform_1(%arg0: i32) -> (i32, i32, i32) {
    %c0_i32 = arith.constant 0 : i32
    %c0_i32_0 = arith.constant 0 : i32
    %c0_i32_1 = arith.constant 0 : i32
    %c0_i32_2 = arith.constant 0 : i32
    return %c0_i32, %c0_i32_0, %c0_i32_1 : i32, i32, i32
  }
  func.func @transform_2(%arg0: i32) -> (i32, i32) {
    %c0_i32 = arith.constant 0 : i32
    %c0_i32_0 = arith.constant 0 : i32
    %c0_i32_1 = arith.constant 0 : i32
    return %c0_i32, %c0_i32_0 : i32, i32
  }
  func.func @transform_3(%arg0: i32) -> (i32, i32) {
    %c0_i32 = arith.constant 0 : i32
    %c0_i32_0 = arith.constant 0 : i32
    %c0_i32_1 = arith.constant 0 : i32
    return %c0_i32, %c0_i32_0 : i32, i32
  }
  func.func @transform_4(%arg0: i32) -> (i32, i32) {
    %c0_i32 = arith.constant 0 : i32
    %c0_i32_0 = arith.constant 0 : i32
    %c0_i32_1 = arith.constant 0 : i32
    return %c0_i32, %c0_i32_0 : i32, i32
  }
  func.func @transform_5(%arg0: i32) -> (i32, i32) {
    %c0_i32 = arith.constant 0 : i32
    %c0_i32_0 = arith.constant 0 : i32
    %c0_i32_1 = arith.constant 0 : i32
    return %c0_i32, %c0_i32_0 : i32, i32
  }
  func.func @transform_6(%arg0: i32) -> (i32, i32, i32) {
    %c0_i32 = arith.constant 0 : i32
    %c0_i32_0 = arith.constant 0 : i32
    %c0_i32_1 = arith.constant 0 : i32
    return %arg0, %c0_i32, %c0_i32_0 : i32, i32, i32
  }
}

</mosaic_0001>

<sc_bundles>
// kernel: sparse-core-data-format-call.cloned.1.call-start
scs
called_computation_lowered:
.L_overlay_start_0:
0x0: {  	s2 =	sld [smem:$0x3FD9]  }
0x1: {  	s3 =	sld [smem:$0x3FFE];
	_ =	sdelay $0x1  }
0x2: {  	s1 =	srdreg.scid  }
0x3: {  	s0 =	sand.u32 $0x1, s1  }
0x4: {  	s18 =	sshll.u32 s0, $0xA;
	s2 =	sadd.s32 s3, s2  }
0x5: {  	s2 =	sadd.s32 s2, s18  }
0x6: {  	[smem:$0x3FC2] =	sst s2  }
0x7: {  	_ = 	snop  }
0x8: {  	s2 =	sld [smem:$0x3FD0];
	(tm) =	ssettm $0x1  }
0x9: {  	s19 =	sld [smem:$0x3FFB];
	_ =	sdelay $0x3  }
0xa: {  	_ =	strace s19  }
0xb: {  	s3 =	sld [smem:$0x3FFC];
	_ =	sdelay $0x3  }
0xc: {  	_ =	strace s3  }
0xd: {  	s3 =	sld [smem:$0x3FFD];
	_ =	sdelay $0x3  }
0xe: {  	_ =	strace s3  }
0xf: {  	_ =	strace $0x8FFFFFFF  }
0x10: {  	s20 =	sld [smem:$0x3FDB];
	_ =	sdelay $0x1  }
0x11: {  	s4 =	simm.s32 $_scs_section_size  }
0x12: {  	s5 =	simm.s32 $_size__tile_overlayer_lowered;
	s6 =	simm.s32 $_tile_overlayer_lowered  }
0x13: {  	s23 =	simm.s32 $0x1BFF;
	s22 =	sshll.u32 s6, $0x1;
	s3 =	sadd.s32 s4, s20  }
0x14: {  	s7 =	simm.s32 $0x0;
	s21 =	sshll.u32 s5, $0x1;
	s5 =	sadd.s32 s22, s3  }
0x15: {  	[timem:s7], [sflag:s23] =	dma.local [hbm:s5], s21  }
0x16: {  	_ =	swait.ge [sflag:s23], s21  }
0x17: {  	s4 =	ssub.s32 $0x0, s21;
	[sflag:s23] =	ssyncset.done $0x0  }
0x18: {  	[sflag:s23] =	ssyncadd.s32 s4;
	_ =	sdelay $0x1  }
0x19: {  	s24 =	simm.s32 $0x1B8B  }
0x1a: {  	_ =	swait.ge [sflag:s24], $0x1  }
0x1b: {  	[sflag:s24] =	ssyncset.done $0x0  }
0x1c: {  	s26 =	simm.s32 $0x1B8E;
	s25 =	sld [smem:$0x3FFE];
	[sflag:s24] =	ssyncadd.s32 $0xFFFFFFFF  }
0x1d: {  	s27 =	simm.s32 $execute0_lowered;
	[smem:$0x3FD2] =	sst s26  }
0x1e: {  	s5 =	sshll.u32 s27, $0x1;
	_ =	strace $0x80000046;
	[dreg:$0x1] =	wrdreg $0xFFFFFFFF  }
0x1f: {  	s28 =	simm.s32 $_size_execute0_lowered;
	s3 =	sadd.s32 s3, s5;
	[dreg:$0x0] =	wrdreg $0x0  }
0x20: {  	s5 =	sshll.u32 s28, $0x1;
	[dreg:$0x2] =	wrdreg s3  }
0x21: {  	[dreg:$0x3] =	wrdreg s5  }
0x22: {  	[dreg:$0x4] =	wrdreg $0xC0  }
0x23: {  	_ =	task [dreg:s7], $0x5FFFF  }
0x24: {  	[dreg:$0x1] =	wrdreg $0xFFFFFFFF  }
0x25: {  	[dreg:$0x0] =	wrdreg $0x60  }
0x26: {  	[dreg:$0x2] =	wrdreg s25  }
0x27: {  	[dreg:$0x3] =	wrdreg s2  }
0x28: {  	[dreg:$0x4] =	wrdreg $0x9  }
0x29: {  	_ =	task.clear_ibuf [dreg:s7], $0x5FFFF;
	_ =	strace $0x90000046  }
0x2a: {  	s29 =	simm.s32 $0x9;
	_ =	strace $0x80000048  }
0x2b: {  	_ =	swait.ge [sflag:s29], $0x1  }
0x2c: {  	[sflag:s29] =	ssyncadd.s32 $0xFFFFFFFF  }
0x2d: {  	_ =	strace $0x90000048  }
0x2e: {  	_ =	sfence  }
0x2f: {  	s30 =	sld [smem:$0x0];
	_ =	sdelay $0x2  }
0x30: {  	s31 =	sshll.u32 s1, $0xD;
	s1 =	sshrl.u32 s1, $0x2  }
0x31: {  	s3 =	sand.u32 $0x4000, s31;
	s1 =	sadd.s32 s1, s30  }
0x32: {  	s0 =	sor.u32 s3, s0;
	s1 =	sshll.u32 s1, $0x11  }
0x33: {  	s0 =	sor.u32 s1, s0  }
0x34: {  	s0 =	sadd.s32 $0x8F2B, s0  }
0x35: {  	[sflag:s0] =	ssyncadd.remote.s32 $0x1  }
0x36: {  	_ =	sfence.sel $0xFFFF  }
0x37: {  	[dreg:$0x0] =	wrdreg $0xFFFFFFFF;
	(pc) =	sbr.abs _section_cstart, $3  }
0x38: {  	[dreg:$0x1] =	wrdreg $0xFFFFFFFF  }
0x39: {  	_ =	task.clear_ibuf [dreg:s7], $0x2FFFF;
	_ =	strace $0x9FFFFFFF  }
0x3a: {  	(tm) =	ssettm $0x7FFFFFFF  }
0x3b: {  	_ =	shalt  }
tec
execute0_lowered:
.L_overlay_start_1:
0x0: {  	(tag) =	ssettag $0x1  }
0x1: {  	s0 =	srdreg.scid  }
0x2: {  	s1 =	sshll.u32 s0, $0x4  }
0x3: {  	s6 =	rddreg [dreg:$0x0];
	s0 =	stileid.u32;
	s1 =	sand.u32 $0x10, s1  }
0x4: {  	s4 =	simm.s32 $0x1;
	s7 =	simm.s32 $0x2;
	s1 =	sor.u32 s0, s1  }
0x5: {  	s15 =	simm.s32 $0x0;
	s8 =	simm.s32 $0x2000;
	s2 =	sshll.u32 s1, $0x1  }
0x6: {  	s9 =	simm.s32 $0x32000;
	s10 =	simm.s32 $0x0;
	s1 =	ssub.s32 $0x40, s2  }
0x7: {  	s16 =	simm.s32 $0x0;
	s17 =	simm.s32 $0x0;
	s3 =	sand.u32 $0x3E, s1  }
0x8: {  	s11 =	simm.s32 $0x0;
	s5 =	sshrl.u32 s1, $0x6;
	p0 =	sne.s32 s3, $0x0  }
.Ltmp0:
0x9: {  	s1 =	rddreg [dreg:$0x2];
	s4 =	simm.s32 @!p0 $0x0;
	(pc) =	sbr.rel .LBB1_1-.Ltmp0, $4  }
0xa: {  	s12 =	simm.s32 $0x0;
	s3 =	rddreg [dreg:$0x1];
	s5 =	sadd.s32 s4, s5  }
0xb: {  	_ =	strace $0x80000047;
	s4 =	simm.s32 $0x1;
	s5 =	smul.u32 $0x19, s5  }
0xc: {  	s14 =	simm.s32 $0x0;
	s6 =	sadd.s32 $0x200A00, s6;
	[sflag:s4] =	ssyncpa.u1 $0x0  }
0xd: {  	s13 =	smov.u32 s2;
	[sflag:s7] =	ssyncpa.u1 $0x0;
	s7 =	sadd.s32 $0x1, s5  }
.LBB1_7:
0xe: {  	s18 =	sadd.s32 $0x1, s11  }
0xf: {  	s15 =	sadd.s32 $0x40, s12;
	s19 =	smov.u32 s12;
	p1 =	sgt.s32 s18, $0x18  }
0x10: {  	s19 =	smov.u32 @p1 s15  }
0x11: {  	s21 =	smov.u32 s13;
	s15 =	sadd.s32 $0x40, s13;
	p2 =	sgt.s32 s19, $0x3F  }
0x12: {  	s21 =	smov.u32 @p2 s15  }
0x13: {  	s18 =	simm.s32 @p1 $0x0;
	p1 =	sgt.s32 s21, $0x3F  }
0x14: {  	p0 =	slt.u32 s14, $0x2;
	s21 =	smov.u32 @p1 s2;
	p1 =	sne.s32 s14, s7  }
.Ltmp1:
0x15: {  	s20 =	simm.s32 @!p0 $0x2;
	(pc) =	sbr.rel @!p1 .LBB1_8-.Ltmp1, $4  }
0x16: {  	s16 =	smov.u32 s12;
	s17 =	smov.u32 s13;
	_ =	swait.ge @!p0 [sflag:s20], $0x4000  }
0x17: {  	s10 =	sadd.s32 $0x4000, s10;
	[sflag:s20] =	ssyncset.done @!p0 $0x0;
	s19 =	simm.s32 @p2 $0x0  }
0x18: {  	s15 =	smov.u32 s11;
	[sflag:s20] =	ssyncadd.s32 @!p0 $0xFFFFC000;
	s11 =	smov.u32 s18  }
0x19: {  	s12 =	smov.u32 s19;
	s14 =	sadd.s32 $0x1, s14;
	s13 =	smov.u32 s21  }
.LBB1_1:
0x1a: {  	p0 =	sge.u32 s14, s5;
	s31 =	sadd.s32 $0xFFFFFFFF, s14  }
0x1b: {  	s18 =	sxor.u32 @!p0 $0xFFFFFFFF, s14;
	s19 =	sshll.u32 @!p0 s13, $0xF;
	s20 =	sshll.u32 @!p0 s12, $0x9  }
0x1c: {  	s21 =	sshll.u32 @!p0 s11, $0x4;
	s18 =	sshll.u32 @!p0 s18, $0xE;
	s19 =	sadd.s32 @!p0 s6, s19  }
0x1d: {  	s21 =	sand.u32 @!p0 $0x1F0, s21;
	s18 =	sand.u32 @!p0 $0x4000, s18;
	s19 =	sadd.s32 @!p0 s20, s19  }
0x1e: {  	s20 =	simm.s32 @!p0 $0x80;
	s19 =	sadd.s32 @!p0 s21, s19;
	s21 =	simm.s32 @!p0 $0x1000  }
0x1f: {  	[tilespmem:s18], [sflag:$0x1] =	stream.strided.gather @!p0 [hbm4b:s19+s20], $0x4000, s21, s20, $0x38;
	[tilespmem:$0x10000] =	vst v63  }
0x20: {  	p0 =	sge.u32 s31, s5  }
.Ltmp2:
0x21: {  	_ = 	snop;
	(pc) =	sbr.rel @p0 .LBB1_7-.Ltmp2, $1  }
0x22: {  	_ =	sdelay $0x3  }
0x23: {  	s18 =	sshll.u32 s10, $0x2;
	_ =	swait.ge [sflag:s4], $0x4000;
	s19 =	sshll.u32 s14, $0xE  }
0x24: {  	s21 =	simm.s32 $0x0;
	p1 =	por $0x1, $0x1;
	s20 =	sand.u32 $0x10000, s18  }
0x25: {  	[sflag:s4] =	ssyncset.done $0x0;
	s31 =	sand.u32 $0x4000, s19;
	s19 =	sshrl.u32 s20, $0x2  }
0x26: {  	[sflag:s4] =	ssyncadd.s32 $0xFFFFC000;
	s18 =	sor.u32 $0x8000, s31;
	s20 =	sadd.s32 $0x8040, s19  }
.LBB1_3:
0x27: {  	s21 =	sshll.u32 s21, $0x2  }
0x28: {  	s22 =	sshra.s32 s21, $0x2  }
0x29: {  	s21 =	sadd.s32 s22, s19  }
0x2a: {  	v1 =	vmov s21;
	_ =	sdelay $0x3  }
0x2b: {  	s21 =	simm.s32 $0x0  }
0x2c: {  	s22 =	sadd.s32 s22, s20;
	v7 =	vld.idx.msk [tilespmem:v1+s21+$0x70 ss:$0x1], $0xffff  }
0x2d: {  	v0 =	vmov s22;
	v8 =	vld.idx.msk [tilespmem:v1+s21+$0x0 ss:$0x1], $0xffff  }
0x2e: {  	v6 =	vld.idx.msk [tilespmem:v1+s21+$0x10 ss:$0x1], $0xffff  }
0x2f: {  	v5 =	vld.idx.msk [tilespmem:v1+s21+$0x20 ss:$0x1], $0xffff  }
0x30: {  	v4 =	vld.idx.msk [tilespmem:v1+s21+$0x30 ss:$0x1], $0xffff  }
0x31: {  	v2 =	vld.idx.msk [tilespmem:v1+s21+$0x40 ss:$0x1], $0xffff  }
0x32: {  	v3 =	vld.idx.msk [tilespmem:v1+s21+$0x50 ss:$0x1], $0xffff;
	[tilespmem:v0+s21+$0x30 ss:$0x1] =	vst.idx.msk $0xffff, v7  }
0x33: {  	p0 =	por p1, p1;
	s23 =	simm.s32 $0x400;
	s22 =	simm.s32 $0x80;
	[tilespmem:v0+s21+$0xFFFFFFC0 ss:$0x1] =	vst.idx.msk $0xffff, v8;
	v7 =	vld.idx.msk [tilespmem:v1+s21+$0x60 ss:$0x1], $0xffff  }
.LBB1_4:
0x34: {  	p1 =	sne.s32 s23, $0x7E00;
	v8 =	vld.idx.msk [tilespmem:v1+s22+$0x70 ss:$0x1], $0xffff;
	[tilespmem:v0+s21+$0xFFFFFFD0 ss:$0x1] =	vst.idx.msk $0xffff, v6  }
0x35: {  	v9 =	vld.idx.msk [tilespmem:v1+s22+$0x0 ss:$0x1], $0xffff;
	[tilespmem:v0+s21+$0xFFFFFFE0 ss:$0x1] =	vst.idx.msk $0xffff, v5  }
0x36: {  	v6 =	vld.idx.msk [tilespmem:v1+s22+$0x10 ss:$0x1], $0xffff;
	[tilespmem:v0+s21+$0xFFFFFFF0 ss:$0x1] =	vst.idx.msk $0xffff, v4  }
.Ltmp3:
0x37: {  	v5 =	vld.idx.msk [tilespmem:v1+s22+$0x20 ss:$0x1], $0xffff;
	[tilespmem:v0+s21+$0x0 ss:$0x1] =	vst.idx.msk $0xffff, v2;
	(pc) =	sbr.rel @p1 .LBB1_4-.Ltmp3, $4  }
0x38: {  	v4 =	vld.idx.msk [tilespmem:v1+s22+$0x30 ss:$0x1], $0xffff;
	[tilespmem:v0+s21+$0x10 ss:$0x1] =	vst.idx.msk $0xffff, v3  }
0x39: {  	v2 =	vld.idx.msk [tilespmem:v1+s22+$0x40 ss:$0x1], $0xffff;
	[tilespmem:v0+s21+$0x20 ss:$0x1] =	vst.idx.msk $0xffff, v7;
	s21 =	smov.u32 s22  }
0x3a: {  	v3 =	vld.idx.msk [tilespmem:v1+s21+$0x50 ss:$0x1], $0xffff;
	[tilespmem:v0+s21+$0x30 ss:$0x1] =	vst.idx.msk $0xffff, v8  }
0x3b: {  	s22 =	sshra.s32 s23, $0x2;
	s23 =	sadd.s32 $0x200, s23;
	[tilespmem:v0+s21+$0xFFFFFFC0 ss:$0x1] =	vst.idx.msk $0xffff, v9;
	v7 =	vld.idx.msk [tilespmem:v1+s21+$0x60 ss:$0x1], $0xffff  }
0x3c: {  	_ =	sdelay $0x3  }
0x3d: {  	[tilespmem:v0+s21+$0xFFFFFFD0 ss:$0x1] =	vst.idx.msk $0xffff, v6  }
0x3e: {  	v56 =	vld.idx.msk [tilespmem:v1+s22+$0x70 ss:$0x1], $0xffff;
	[tilespmem:v0+s21+$0xFFFFFFE0 ss:$0x1] =	vst.idx.msk $0xffff, v5  }
0x3f: {  	v57 =	vld.idx.msk [tilespmem:v1+s22+$0x0 ss:$0x1], $0xffff;
	[tilespmem:v0+s21+$0xFFFFFFF0 ss:$0x1] =	vst.idx.msk $0xffff, v4  }
0x40: {  	v58 =	vld.idx.msk [tilespmem:v1+s22+$0x10 ss:$0x1], $0xffff;
	[tilespmem:v0+s21+$0x0 ss:$0x1] =	vst.idx.msk $0xffff, v2  }
0x41: {  	v59 =	vld.idx.msk [tilespmem:v1+s22+$0x20 ss:$0x1], $0xffff;
	[tilespmem:v0+s21+$0x10 ss:$0x1] =	vst.idx.msk $0xffff, v3  }
0x42: {  	v60 =	vld.idx.msk [tilespmem:v1+s22+$0x30 ss:$0x1], $0xffff;
	[tilespmem:v0+s21+$0x20 ss:$0x1] =	vst.idx.msk $0xffff, v7  }
0x43: {  	v61 =	vld.idx.msk [tilespmem:v1+s22+$0x40 ss:$0x1], $0xffff;
	[tilespmem:v0+s22+$0x30 ss:$0x1] =	vst.idx.msk $0xffff, v56  }
0x44: {  	v62 =	vld.idx.msk [tilespmem:v1+s22+$0x50 ss:$0x1], $0xffff;
	[tilespmem:v0+s22+$0xFFFFFFC0 ss:$0x1] =	vst.idx.msk $0xffff, v57  }
0x45: {  	v63 =	vld.idx.msk [tilespmem:v1+s22+$0x60 ss:$0x1], $0xffff;
	[tilespmem:v0+s22+$0xFFFFFFD0 ss:$0x1] =	vst.idx.msk $0xffff, v58  }
.Ltmp4:
0x46: {  	[tilespmem:v0+s22+$0xFFFFFFE0 ss:$0x1] =	vst.idx.msk $0xffff, v59;
	(pc) =	sbr.rel @p0 .LBB1_3-.Ltmp4, $4  }
0x47: {  	[tilespmem:v0+s22+$0xFFFFFFF0 ss:$0x1] =	vst.idx.msk $0xffff, v60  }
0x48: {  	[tilespmem:v0+s22+$0x0 ss:$0x1] =	vst.idx.msk $0xffff, v61  }
0x49: {  	[tilespmem:v0+s22+$0x10 ss:$0x1] =	vst.idx.msk $0xffff, v62  }
0x4a: {  	p1 =	por $0x0, $0x0;
	s21 =	simm.s32 $0x2000;
	[tilespmem:v0+s22+$0x20 ss:$0x1] =	vst.idx.msk $0xffff, v63  }
0x4b: {  	s17 =	smul.u32 $0x6400, s17  }
.Ltmp5:
0x4c: {  	_ = 	snop;
	(pc) =	sbr.rel .LBB1_7-.Ltmp5, $4  }
0x4d: {  	s15 =	sshll.u32 s15, $0xA;
	s16 =	sshll.u32 s16, $0x4;
	s17 =	sadd.s32 s3, s17  }
0x4e: {  	s16 =	sand.u32 $0x3F0, s16;
	s15 =	sadd.s32 s15, s17  }
0x4f: {  	s15 =	sadd.s32 s16, s15  }
0x50: {  	[hbm4b:s15+s8] =	stream.strided.scatter [tilespmem:s18], [sflag:$0x2], $0x4000, s9, s8, $0x38;
	[tilespmem:$0x10000] =	vst v63  }
.LBB1_8:
0x51: {  	_ =	sfence.sel $0x180000  }
0x52: {  	s2 =	simm.s32 $0x1;
	[bflag:$0x0] =	sbarrier.arrive $0xFFFF  }
0x53: {  	s31 =	simm.s32 $0x2;
	[sflag:s2] =	ssyncpa.u1 $0x1  }
0x54: {  	[sflag:s31] =	ssyncpa.u1 $0x1  }
0x55: {  	p0 =	sne.s32 s0, $0x0;
	_ =	strace $0x90000047  }
0x56: {  	s0 =	sadd.s32 @!p0 $0x100000, s1;
	[bflag:$0x2] =	sbarrier.arrive $0xFFFF  }
0x57: {  	[sflag:s0] =	ssyncadd.tile.s32 @!p0 $0x1;
	_ =	shalt  }
.Lfunc_end1:
_tile_overlayer_lowered:
.L_overlay_start_2:
0x58: {  	(tag) =	ssettag $0x2  }
0x59: {  	s0 =	rddreg [dreg:$0x0];
	s2 =	stileid.u32  }
0x5a: {  	s1 =	rddreg [dreg:$0x1];
	p0 =	sne.s32 s2, $0x0  }
0x5b: {  	s3 =	rddreg [dreg:$0x2];
	[bflag:$0x3] =	sbarrier.arrive $0xFFFF;
	s2 =	simm.s32 @!p0 $0x1C01  }
0x5c: {  	[timem:s3], [sflag:s2] =	dma.local @!p0 [hbm:s0], s1  }
0x5d: {  	s0 =	simm.s32 @!p0 $0x1  }
0x5e: {  	_ =	swait.ge @!p0 [sflag:s0], s1  }
0x5f: {  	s1 =	ssub.s32 @!p0 $0x0, s1;
	[sflag:s0] =	ssyncset.done @!p0 $0x0  }
0x60: {  	[sflag:s0] =	ssyncadd.s32 @!p0 s1  }
0x61: {  	[bflag:$0x3] =	sbarrier.arrive $0xFFFF  }
0x62: {  	_ =	shalt  }

</sc_bundles>
